<compile_context>
chip_gen: v7x
topology: tpu7x:2x2x1
jax: 0.10.2.dev20260603
libtpu: 0.0.44.dev20260713+nightly
codegen_flags: <defaults>
</compile_context>

<pallas_src>
import jax
import jax.numpy as jnp
from jax import lax
from jax.experimental import pallas as pl
from jax.experimental.pallas import tpu as pltpu
from jax.experimental.pallas import tpu_sc as plsc

_N = 2_000_000
_NTYPES = 5
_NW = 32
_CE = 16_000
_CHUNKS = _N // _CE
_ITERS = (_CHUNKS + _NW - 1) // _NW


def _sc_body(elems, types_bcast, w0, types_v, inbuf, w0buf):
    c = lax.axis_index("c")
    s = lax.axis_index("s")
    wid = s * 2 + c
    pltpu.sync_copy(types_bcast, types_v)
    tvs = [types_v[pl.ds(16 * a, 16)] for a in range(_NTYPES)]
    one = jnp.int32(1)
    zero = jnp.int32(0)

    def chunk_body(j, carry):
        ch = wid + j * _NW

        @pl.when(ch < _CHUNKS)
        def _():
            base = ch * _CE
            pltpu.sync_copy(elems.at[pl.ds(base, _CE)], inbuf)

            def step(tt, cc):
                o = tt * 128
                for u in range(8):
                    e = inbuf[pl.ds(o + 16 * u, 16)]
                    v = jnp.where(e == tvs[0], one, zero)
                    v = v | jnp.where(e == tvs[1], jnp.int32(2), zero)
                    v = v | jnp.where(e == tvs[2], jnp.int32(4), zero)
                    v = v | jnp.where(e == tvs[3], jnp.int32(8), zero)
                    v = v | jnp.where(e == tvs[4], jnp.int32(16), zero)
                    w0buf[pl.ds(o + 16 * u, 16)] = v
                return cc

            lax.fori_loop(0, _CE // 128, step, 0)
            pltpu.sync_copy(w0buf, w0.at[pl.ds(base, _CE)])

        return carry

    lax.fori_loop(0, _ITERS, chunk_body, 0)


def kernel(elems, atom_types):
    types_bcast = jnp.repeat(atom_types, 16)
    mesh = plsc.VectorSubcoreMesh(core_axis_name="c", subcore_axis_name="s",
                                  num_cores=2, num_subcores=16)
    w0 = pl.kernel(
        _sc_body,
        out_type=jax.ShapeDtypeStruct((_N,), jnp.int32),
        mesh=mesh,
        scratch_types=[
            pltpu.VMEM((80,), jnp.int32),
            pltpu.VMEM((_CE,), jnp.int32),
            pltpu.VMEM((_CE,), jnp.int32),
        ],
        compiler_params=pltpu.CompilerParams(needs_layout_passes=False),
    )(elems, types_bcast)
    shifts = jnp.arange(5, dtype=jnp.int32)[None, :]
    return ((w0[:, None] >> shifts) & 1).astype(jnp.bool_)

# --- scband reference (transcript-rebuilt; emitter-appended) ---
"""Pipeline reference for scband-atomic-onehot-14078902796997 (READ-ONLY COPY).

The authoritative reference and input builder live on the scoring server;
editing this copy changes nothing except your own understanding.
"""

import jax, jax.numpy as jnp
import numpy as np

N_ATOMS = 2000000
ATOM_TYPES = [1, 6, 7, 8, 9]


def setup_inputs(seed: int = 0) -> dict:
    key = jax.random.key(seed)
    elems = jax.random.randint(key, (N_ATOMS,), 0, 10)
    atom_types = jnp.array(ATOM_TYPES, dtype=elems.dtype)
    return {"elems": elems, "atom_types": atom_types}


def reference(elems, atom_types):
    # P_{i,alpha} = delta(Z_i, Z0_alpha): broadcasted equality one-hot
    prop = jnp.expand_dims(elems, 1) == jnp.expand_dims(atom_types, 0)
    return prop

if __name__ == "__main__":
    import jax
    _d = setup_inputs()
    print(jax.jit(kernel)(*tuple(_d.values())))

</pallas_src>

<mosaic_0001>
#map = affine_map<(d0, d1) -> (0)>
module attributes {stable_mosaic.version = 14 : i64} {
  func.func @_sc_body(%arg0: i32, %arg1: i32, %arg2: memref<2000000xi32, #tpu.memory_space<hbm>>, %arg3: memref<80xi32, #tpu.memory_space<hbm>>, %arg4: memref<2000000xi32, #tpu.memory_space<hbm>>, %arg5: memref<80xi32, #tpu.memory_space<vmem>>, %arg6: memref<16000xi32, #tpu.memory_space<vmem>>, %arg7: memref<16000xi32, #tpu.memory_space<vmem>>) attributes {dimension_semantics = [#tpu.dimension_semantics<core_parallel>, #tpu.dimension_semantics<subcore_parallel>], iteration_bounds = array<i64: 2, 16>, scalar_prefetch = 0 : i64, scratch_operands = 3 : i64, tpu.core_type = #tpu.core_type<sc_vector_subcore>, window_params = [{transform_indices = #map}, {transform_indices = #map}, {transform_indices = #map}]} {
    %mul3A = arith.constant 2 : i32
    %mul3A_0 = arith.muli %arg1, %mul3A : i32
    %add3A = arith.addi %mul3A_0, %arg0 : i32
    "tpu.region"() ({
      %run_scoped3A = tpu.sem_alloc : memref<!tpu.dma_semaphore, #tpu.memory_space<semaphore_mem>>
      tpu.enqueue_dma source(%arg3 : memref<80xi32, #tpu.memory_space<hbm>>) target(%arg5 : memref<80xi32, #tpu.memory_space<vmem>>) target_semaphore(%run_scoped3A : memref<!tpu.dma_semaphore, #tpu.memory_space<semaphore_mem>>)
      tpu.wait_dma2 semaphore(%run_scoped3A : memref<!tpu.dma_semaphore, #tpu.memory_space<semaphore_mem>>) src(%arg3 : memref<80xi32, #tpu.memory_space<hbm>>) dst(%arg5 : memref<80xi32, #tpu.memory_space<vmem>>)
      tpu.yield
    }) : () -> ()
    %get3A = arith.constant 0 : index
    %get3A_1 = tpu.vector_load %arg5[%get3A] {strides = array<i32>} : memref<80xi32, #tpu.memory_space<vmem>>, vector<16xi32>,
    %get3A_2 = arith.constant 16 : index
    %get3A_3 = tpu.vector_load %arg5[%get3A_2] {strides = array<i32>} : memref<80xi32, #tpu.memory_space<vmem>>, vector<16xi32>,
    %get3A_4 = arith.constant 32 : index
    %get3A_5 = tpu.vector_load %arg5[%get3A_4] {strides = array<i32>} : memref<80xi32, #tpu.memory_space<vmem>>, vector<16xi32>,
    %get3A_6 = arith.constant 48 : index
    %get3A_7 = tpu.vector_load %arg5[%get3A_6] {strides = array<i32>} : memref<80xi32, #tpu.memory_space<vmem>>, vector<16xi32>,
    %get3A_8 = arith.constant 64 : index
    %get3A_9 = tpu.vector_load %arg5[%get3A_8] {strides = array<i32>} : memref<80xi32, #tpu.memory_space<vmem>>, vector<16xi32>,
    %scan3A = arith.constant 0 : i32
    %scan3A_10 = arith.constant 1 : i32
    %scan3A_11 = arith.constant 0 : i32
    %scan3A_12 = arith.constant 0 : i32
    %scan3A_13 = arith.constant 4 : i32
    %scan3A_14 = arith.addi %scan3A_12, %scan3A_13 : i32
    %scan3A_15 = arith.constant 1 : i32
    scf.for %scan3A_17 = %scan3A_12 to %scan3A_14 step %scan3A_15  : i32 {
      %mul3A_18 = arith.constant 32 : i32
      %mul3A_19 = arith.muli %scan3A_17, %mul3A_18 : i32
      %add3A_20 = arith.addi %add3A, %mul3A_19 : i32
      %lt3A = arith.constant 125 : i32
      %lt3A_21 = arith.cmpi slt, %add3A_20, %lt3A : i32
      %convert_element_type3A = arith.extui %lt3A_21 : i1 to i32
      %cond3A = arith.constant 0 : i32
      %cond3A_22 = arith.cmpi ne, %convert_element_type3A, %cond3A : i32
      scf.if %cond3A_22 {
        %mul3A_23 = arith.constant 16000 : i32
        %mul3A_24 = arith.muli %add3A_20, %mul3A_23 : i32
        "tpu.region"() ({
          %run_scoped3A = tpu.sem_alloc : memref<!tpu.dma_semaphore, #tpu.memory_space<semaphore_mem>>
          %dma_start3A = tpu.memref_slice %arg2[%mul3A_24] : memref<2000000xi32, #tpu.memory_space<hbm>> -> memref<16000xi32, #tpu.memory_space<hbm>>
          %dma_start3A_31 = tpu.memref_slice %arg2[%mul3A_24] : memref<2000000xi32, #tpu.memory_space<hbm>> -> memref<16000xi32, #tpu.memory_space<hbm>>
          tpu.enqueue_dma source(%dma_start3A_31 : memref<16000xi32, #tpu.memory_space<hbm>>) target(%arg6 : memref<16000xi32, #tpu.memory_space<vmem>>) target_semaphore(%run_scoped3A : memref<!tpu.dma_semaphore, #tpu.memory_space<semaphore_mem>>)
          %dma_wait3A = tpu.memref_slice %arg2[%mul3A_24] : memref<2000000xi32, #tpu.memory_space<hbm>> -> memref<16000xi32, #tpu.memory_space<hbm>>
          %dma_wait3A_32 = tpu.memref_slice %arg2[%mul3A_24] : memref<2000000xi32, #tpu.memory_space<hbm>> -> memref<16000xi32, #tpu.memory_space<hbm>>
          tpu.wait_dma2 semaphore(%run_scoped3A : memref<!tpu.dma_semaphore, #tpu.memory_space<semaphore_mem>>) src(%dma_wait3A_32 : memref<16000xi32, #tpu.memory_space<hbm>>) dst(%arg6 : memref<16000xi32, #tpu.memory_space<vmem>>)
          tpu.yield
        }) : () -> ()
        %scan3A_25 = arith.constant 0 : i32
        %scan3A_26 = arith.constant 0 : i32
        %scan3A_27 = arith.constant 125 : i32
        %scan3A_28 = arith.addi %scan3A_26, %scan3A_27 : i32
        %scan3A_29 = arith.constant 1 : i32
        scf.for %scan3A_31 = %scan3A_26 to %scan3A_28 step %scan3A_29  : i32 {
          %mul3A_32 = arith.constant 128 : i32
          %mul3A_33 = arith.muli %scan3A_31, %mul3A_32 : i32
          %add3A_34 = arith.constant 0 : i32
          %add3A_35 = arith.addi %mul3A_33, %add3A_34 : i32
          %get3A_36 = arith.index_cast %add3A_35 : i32 to index
          %get3A_37 = tpu.vector_load %arg6[%get3A_36] {strides = array<i32>} : memref<16000xi32, #tpu.memory_space<vmem>>, vector<16xi32>,
          %eq3A = arith.cmpi eq, %get3A_37, %get3A_1 : vector<16xi32>
          %broadcast_in_dim3A = vector.broadcast %scan3A_10 : i32 to vector<16xi32>
          %broadcast_in_dim3A_38 = vector.broadcast %scan3A_11 : i32 to vector<16xi32>
          %select_n3A = arith.select %eq3A, %broadcast_in_dim3A, %broadcast_in_dim3A_38 : vector<16xi1>, vector<16xi32>
          %eq3A_39 = arith.cmpi eq, %get3A_37, %get3A_3 : vector<16xi32>
          %jit3A = arith.constant 2 : i32
          %broadcast_in_dim3A_40 = vector.broadcast %jit3A : i32 to vector<16xi32>
          %broadcast_in_dim3A_41 = vector.broadcast %scan3A_11 : i32 to vector<16xi32>
          %select_n3A_42 = arith.select %eq3A_39, %broadcast_in_dim3A_40, %broadcast_in_dim3A_41 : vector<16xi1>, vector<16xi32>
          %or3A = arith.ori %select_n3A, %select_n3A_42 : vector<16xi32>
          %eq3A_43 = arith.cmpi eq, %get3A_37, %get3A_5 : vector<16xi32>
          %jit3A_44 = arith.constant 4 : i32
          %broadcast_in_dim3A_45 = vector.broadcast %jit3A_44 : i32 to vector<16xi32>
          %broadcast_in_dim3A_46 = vector.broadcast %scan3A_11 : i32 to vector<16xi32>
          %select_n3A_47 = arith.select %eq3A_43, %broadcast_in_dim3A_45, %broadcast_in_dim3A_46 : vector<16xi1>, vector<16xi32>
          %or3A_48 = arith.ori %or3A, %select_n3A_47 : vector<16xi32>
          %eq3A_49 = arith.cmpi eq, %get3A_37, %get3A_7 : vector<16xi32>
          %jit3A_50 = arith.constant 8 : i32
          %broadcast_in_dim3A_51 = vector.broadcast %jit3A_50 : i32 to vector<16xi32>
          %broadcast_in_dim3A_52 = vector.broadcast %scan3A_11 : i32 to vector<16xi32>
          %select_n3A_53 = arith.select %eq3A_49, %broadcast_in_dim3A_51, %broadcast_in_dim3A_52 : vector<16xi1>, vector<16xi32>
          %or3A_54 = arith.ori %or3A_48, %select_n3A_53 : vector<16xi32>
          %eq3A_55 = arith.cmpi eq, %get3A_37, %get3A_9 : vector<16xi32>
          %jit3A_56 = arith.constant 16 : i32
          %broadcast_in_dim3A_57 = vector.broadcast %jit3A_56 : i32 to vector<16xi32>
          %broadcast_in_dim3A_58 = vector.broadcast %scan3A_11 : i32 to vector<16xi32>
          %select_n3A_59 = arith.select %eq3A_55, %broadcast_in_dim3A_57, %broadcast_in_dim3A_58 : vector<16xi1>, vector<16xi32>
          %or3A_60 = arith.ori %or3A_54, %select_n3A_59 : vector<16xi32>
          %add3A_61 = arith.constant 0 : i32
          %add3A_62 = arith.addi %mul3A_33, %add3A_61 : i32
          %swap3A = arith.index_cast %add3A_62 : i32 to index
          %swap3A_63 = tpu.vector_load %arg7[%swap3A] {strides = array<i32>} : memref<16000xi32, #tpu.memory_space<vmem>>, vector<16xi32>,
          tpu.vector_store %arg7[%swap3A], %or3A_60 {strides = array<i32>} : memref<16000xi32, #tpu.memory_space<vmem>>, vector<16xi32>,
          %add3A_64 = arith.constant 16 : i32
          %add3A_65 = arith.addi %mul3A_33, %add3A_64 : i32
          %get3A_66 = arith.index_cast %add3A_65 : i32 to index
          %get3A_67 = tpu.vector_load %arg6[%get3A_66] {strides = array<i32>} : memref<16000xi32, #tpu.memory_space<vmem>>, vector<16xi32>,
          %eq3A_68 = arith.cmpi eq, %get3A_67, %get3A_1 : vector<16xi32>
          %broadcast_in_dim3A_69 = vector.broadcast %scan3A_10 : i32 to vector<16xi32>
          %broadcast_in_dim3A_70 = vector.broadcast %scan3A_11 : i32 to vector<16xi32>
          %select_n3A_71 = arith.select %eq3A_68, %broadcast_in_dim3A_69, %broadcast_in_dim3A_70 : vector<16xi1>, vector<16xi32>
          %eq3A_72 = arith.cmpi eq, %get3A_67, %get3A_3 : vector<16xi32>
          %jit3A_73 = arith.constant 2 : i32
          %broadcast_in_dim3A_74 = vector.broadcast %jit3A_73 : i32 to vector<16xi32>
          %broadcast_in_dim3A_75 = vector.broadcast %scan3A_11 : i32 to vector<16xi32>
          %select_n3A_76 = arith.select %eq3A_72, %broadcast_in_dim3A_74, %broadcast_in_dim3A_75 : vector<16xi1>, vector<16xi32>
          %or3A_77 = arith.ori %select_n3A_71, %select_n3A_76 : vector<16xi32>
          %eq3A_78 = arith.cmpi eq, %get3A_67, %get3A_5 : vector<16xi32>
          %jit3A_79 = arith.constant 4 : i32
          %broadcast_in_dim3A_80 = vector.broadcast %jit3A_79 : i32 to vector<16xi32>
          %broadcast_in_dim3A_81 = vector.broadcast %scan3A_11 : i32 to vector<16xi32>
          %select_n3A_82 = arith.select %eq3A_78, %broadcast_in_dim3A_80, %broadcast_in_dim3A_81 : vector<16xi1>, vector<16xi32>
          %or3A_83 = arith.ori %or3A_77, %select_n3A_82 : vector<16xi32>
          %eq3A_84 = arith.cmpi eq, %get3A_67, %get3A_7 : vector<16xi32>
          %jit3A_85 = arith.constant 8 : i32
          %broadcast_in_dim3A_86 = vector.broadcast %jit3A_85 : i32 to vector<16xi32>
          %broadcast_in_dim3A_87 = vector.broadcast %scan3A_11 : i32 to vector<16xi32>
          %select_n3A_88 = arith.select %eq3A_84, %broadcast_in_dim3A_86, %broadcast_in_dim3A_87 : vector<16xi1>, vector<16xi32>
          %or3A_89 = arith.ori %or3A_83, %select_n3A_88 : vector<16xi32>
          %eq3A_90 = arith.cmpi eq, %get3A_67, %get3A_9 : vector<16xi32>
          %jit3A_91 = arith.constant 16 : i32
          %broadcast_in_dim3A_92 = vector.broadcast %jit3A_91 : i32 to vector<16xi32>
          %broadcast_in_dim3A_93 = vector.broadcast %scan3A_11 : i32 to vector<16xi32>
          %select_n3A_94 = arith.select %eq3A_90, %broadcast_in_dim3A_92, %broadcast_in_dim3A_93 : vector<16xi1>, vector<16xi32>
          %or3A_95 = arith.ori %or3A_89, %select_n3A_94 : vector<16xi32>
          %add3A_96 = arith.constant 16 : i32
          %add3A_97 = arith.addi %mul3A_33, %add3A_96 : i32
          %swap3A_98 = arith.index_cast %add3A_97 : i32 to index
          %swap3A_99 = tpu.vector_load %arg7[%swap3A_98] {strides = array<i32>} : memref<16000xi32, #tpu.memory_space<vmem>>, vector<16xi32>,
          tpu.vector_store %arg7[%swap3A_98], %or3A_95 {strides = array<i32>} : memref<16000xi32, #tpu.memory_space<vmem>>, vector<16xi32>,
          %add3A_100 = arith.constant 32 : i32
          %add3A_101 = arith.addi %mul3A_33, %add3A_100 : i32
          %get3A_102 = arith.index_cast %add3A_101 : i32 to index
          %get3A_103 = tpu.vector_load %arg6[%get3A_102] {strides = array<i32>} : memref<16000xi32, #tpu.memory_space<vmem>>, vector<16xi32>,
          %eq3A_104 = arith.cmpi eq, %get3A_103, %get3A_1 : vector<16xi32>
          %broadcast_in_dim3A_105 = vector.broadcast %scan3A_10 : i32 to vector<16xi32>
          %broadcast_in_dim3A_106 = vector.broadcast %scan3A_11 : i32 to vector<16xi32>
          %select_n3A_107 = arith.select %eq3A_104, %broadcast_in_dim3A_105, %broadcast_in_dim3A_106 : vector<16xi1>, vector<16xi32>
          %eq3A_108 = arith.cmpi eq, %get3A_103, %get3A_3 : vector<16xi32>
          %jit3A_109 = arith.constant 2 : i32
          %broadcast_in_dim3A_110 = vector.broadcast %jit3A_109 : i32 to vector<16xi32>
          %broadcast_in_dim3A_111 = vector.broadcast %scan3A_11 : i32 to vector<16xi32>
          %select_n3A_112 = arith.select %eq3A_108, %broadcast_in_dim3A_110, %broadcast_in_dim3A_111 : vector<16xi1>, vector<16xi32>
          %or3A_113 = arith.ori %select_n3A_107, %select_n3A_112 : vector<16xi32>
          %eq3A_114 = arith.cmpi eq, %get3A_103, %get3A_5 : vector<16xi32>
          %jit3A_115 = arith.constant 4 : i32
          %broadcast_in_dim3A_116 = vector.broadcast %jit3A_115 : i32 to vector<16xi32>
          %broadcast_in_dim3A_117 = vector.broadcast %scan3A_11 : i32 to vector<16xi32>
          %select_n3A_118 = arith.select %eq3A_114, %broadcast_in_dim3A_116, %broadcast_in_dim3A_117 : vector<16xi1>, vector<16xi32>
          %or3A_119 = arith.ori %or3A_113, %select_n3A_118 : vector<16xi32>
          %eq3A_120 = arith.cmpi eq, %get3A_103, %get3A_7 : vector<16xi32>
          %jit3A_121 = arith.constant 8 : i32
          %broadcast_in_dim3A_122 = vector.broadcast %jit3A_121 : i32 to vector<16xi32>
          %broadcast_in_dim3A_123 = vector.broadcast %scan3A_11 : i32 to vector<16xi32>
          %select_n3A_124 = arith.select %eq3A_120, %broadcast_in_dim3A_122, %broadcast_in_dim3A_123 : vector<16xi1>, vector<16xi32>
          %or3A_125 = arith.ori %or3A_119, %select_n3A_124 : vector<16xi32>
          %eq3A_126 = arith.cmpi eq, %get3A_103, %get3A_9 : vector<16xi32>
          %jit3A_127 = arith.constant 16 : i32
          %broadcast_in_dim3A_128 = vector.broadcast %jit3A_127 : i32 to vector<16xi32>
          %broadcast_in_dim3A_129 = vector.broadcast %scan3A_11 : i32 to vector<16xi32>
          %select_n3A_130 = arith.select %eq3A_126, %broadcast_in_dim3A_128, %broadcast_in_dim3A_129 : vector<16xi1>, vector<16xi32>
          %or3A_131 = arith.ori %or3A_125, %select_n3A_130 : vector<16xi32>
          %add3A_132 = arith.constant 32 : i32
          %add3A_133 = arith.addi %mul3A_33, %add3A_132 : i32
          %swap3A_134 = arith.index_cast %add3A_133 : i32 to index
          %swap3A_135 = tpu.vector_load %arg7[%swap3A_134] {strides = array<i32>} : memref<16000xi32, #tpu.memory_space<vmem>>, vector<16xi32>,
          tpu.vector_store %arg7[%swap3A_134], %or3A_131 {strides = array<i32>} : memref<16000xi32, #tpu.memory_space<vmem>>, vector<16xi32>,
          %add3A_136 = arith.constant 48 : i32
          %add3A_137 = arith.addi %mul3A_33, %add3A_136 : i32
          %get3A_138 = arith.index_cast %add3A_137 : i32 to index
          %get3A_139 = tpu.vector_load %arg6[%get3A_138] {strides = array<i32>} : memref<16000xi32, #tpu.memory_space<vmem>>, vector<16xi32>,
          %eq3A_140 = arith.cmpi eq, %get3A_139, %get3A_1 : vector<16xi32>
          %broadcast_in_dim3A_141 = vector.broadcast %scan3A_10 : i32 to vector<16xi32>
          %broadcast_in_dim3A_142 = vector.broadcast %scan3A_11 : i32 to vector<16xi32>
          %select_n3A_143 = arith.select %eq3A_140, %broadcast_in_dim3A_141, %broadcast_in_dim3A_142 : vector<16xi1>, vector<16xi32>
          %eq3A_144 = arith.cmpi eq, %get3A_139, %get3A_3 : vector<16xi32>
          %jit3A_145 = arith.constant 2 : i32
          %broadcast_in_dim3A_146 = vector.broadcast %jit3A_145 : i32 to vector<16xi32>
          %broadcast_in_dim3A_147 = vector.broadcast %scan3A_11 : i32 to vector<16xi32>
          %select_n3A_148 = arith.select %eq3A_144, %broadcast_in_dim3A_146, %broadcast_in_dim3A_147 : vector<16xi1>, vector<16xi32>
          %or3A_149 = arith.ori %select_n3A_143, %select_n3A_148 : vector<16xi32>
          %eq3A_150 = arith.cmpi eq, %get3A_139, %get3A_5 : vector<16xi32>
          %jit3A_151 = arith.constant 4 : i32
          %broadcast_in_dim3A_152 = vector.broadcast %jit3A_151 : i32 to vector<16xi32>
          %broadcast_in_dim3A_153 = vector.broadcast %scan3A_11 : i32 to vector<16xi32>
          %select_n3A_154 = arith.select %eq3A_150, %broadcast_in_dim3A_152, %broadcast_in_dim3A_153 : vector<16xi1>, vector<16xi32>
          %or3A_155 = arith.ori %or3A_149, %select_n3A_154 : vector<16xi32>
          %eq3A_156 = arith.cmpi eq, %get3A_139, %get3A_7 : vector<16xi32>
          %jit3A_157 = arith.constant 8 : i32
          %broadcast_in_dim3A_158 = vector.broadcast %jit3A_157 : i32 to vector<16xi32>
          %broadcast_in_dim3A_159 = vector.broadcast %scan3A_11 : i32 to vector<16xi32>
          %select_n3A_160 = arith.select %eq3A_156, %broadcast_in_dim3A_158, %broadcast_in_dim3A_159 : vector<16xi1>, vector<16xi32>
          %or3A_161 = arith.ori %or3A_155, %select_n3A_160 : vector<16xi32>
          %eq3A_162 = arith.cmpi eq, %get3A_139, %get3A_9 : vector<16xi32>
          %jit3A_163 = arith.constant 16 : i32
          %broadcast_in_dim3A_164 = vector.broadcast %jit3A_163 : i32 to vector<16xi32>
          %broadcast_in_dim3A_165 = vector.broadcast %scan3A_11 : i32 to vector<16xi32>
          %select_n3A_166 = arith.select %eq3A_162, %broadcast_in_dim3A_164, %broadcast_in_dim3A_165 : vector<16xi1>, vector<16xi32>
          %or3A_167 = arith.ori %or3A_161, %select_n3A_166 : vector<16xi32>
          %add3A_168 = arith.constant 48 : i32
          %add3A_169 = arith.addi %mul3A_33, %add3A_168 : i32
          %swap3A_170 = arith.index_cast %add3A_169 : i32 to index
          %swap3A_171 = tpu.vector_load %arg7[%swap3A_170] {strides = array<i32>} : memref<16000xi32, #tpu.memory_space<vmem>>, vector<16xi32>,
          tpu.vector_store %arg7[%swap3A_170], %or3A_167 {strides = array<i32>} : memref<16000xi32, #tpu.memory_space<vmem>>, vector<16xi32>,
          %add3A_172 = arith.constant 64 : i32
          %add3A_173 = arith.addi %mul3A_33, %add3A_172 : i32
          %get3A_174 = arith.index_cast %add3A_173 : i32 to index
          %get3A_175 = tpu.vector_load %arg6[%get3A_174] {strides = array<i32>} : memref<16000xi32, #tpu.memory_space<vmem>>, vector<16xi32>,
          %eq3A_176 = arith.cmpi eq, %get3A_175, %get3A_1 : vector<16xi32>
          %broadcast_in_dim3A_177 = vector.broadcast %scan3A_10 : i32 to vector<16xi32>
          %broadcast_in_dim3A_178 = vector.broadcast %scan3A_11 : i32 to vector<16xi32>
          %select_n3A_179 = arith.select %eq3A_176, %broadcast_in_dim3A_177, %broadcast_in_dim3A_178 : vector<16xi1>, vector<16xi32>
          %eq3A_180 = arith.cmpi eq, %get3A_175, %get3A_3 : vector<16xi32>
          %jit3A_181 = arith.constant 2 : i32
          %broadcast_in_dim3A_182 = vector.broadcast %jit3A_181 : i32 to vector<16xi32>
          %broadcast_in_dim3A_183 = vector.broadcast %scan3A_11 : i32 to vector<16xi32>
          %select_n3A_184 = arith.select %eq3A_180, %broadcast_in_dim3A_182, %broadcast_in_dim3A_183 : vector<16xi1>, vector<16xi32>
          %or3A_185 = arith.ori %select_n3A_179, %select_n3A_184 : vector<16xi32>
          %eq3A_186 = arith.cmpi eq, %get3A_175, %get3A_5 : vector<16xi32>
          %jit3A_187 = arith.constant 4 : i32
          %broadcast_in_dim3A_188 = vector.broadcast %jit3A_187 : i32 to vector<16xi32>
          %broadcast_in_dim3A_189 = vector.broadcast %scan3A_11 : i32 to vector<16xi32>
          %select_n3A_190 = arith.select %eq3A_186, %broadcast_in_dim3A_188, %broadcast_in_dim3A_189 : vector<16xi1>, vector<16xi32>
          %or3A_191 = arith.ori %or3A_185, %select_n3A_190 : vector<16xi32>
          %eq3A_192 = arith.cmpi eq, %get3A_175, %get3A_7 : vector<16xi32>
          %jit3A_193 = arith.constant 8 : i32
          %broadcast_in_dim3A_194 = vector.broadcast %jit3A_193 : i32 to vector<16xi32>
          %broadcast_in_dim3A_195 = vector.broadcast %scan3A_11 : i32 to vector<16xi32>
          %select_n3A_196 = arith.select %eq3A_192, %broadcast_in_dim3A_194, %broadcast_in_dim3A_195 : vector<16xi1>, vector<16xi32>
          %or3A_197 = arith.ori %or3A_191, %select_n3A_196 : vector<16xi32>
          %eq3A_198 = arith.cmpi eq, %get3A_175, %get3A_9 : vector<16xi32>
          %jit3A_199 = arith.constant 16 : i32
          %broadcast_in_dim3A_200 = vector.broadcast %jit3A_199 : i32 to vector<16xi32>
          %broadcast_in_dim3A_201 = vector.broadcast %scan3A_11 : i32 to vector<16xi32>
          %select_n3A_202 = arith.select %eq3A_198, %broadcast_in_dim3A_200, %broadcast_in_dim3A_201 : vector<16xi1>, vector<16xi32>
          %or3A_203 = arith.ori %or3A_197, %select_n3A_202 : vector<16xi32>
          %add3A_204 = arith.constant 64 : i32
          %add3A_205 = arith.addi %mul3A_33, %add3A_204 : i32
          %swap3A_206 = arith.index_cast %add3A_205 : i32 to index
          %swap3A_207 = tpu.vector_load %arg7[%swap3A_206] {strides = array<i32>} : memref<16000xi32, #tpu.memory_space<vmem>>, vector<16xi32>,
          tpu.vector_store %arg7[%swap3A_206], %or3A_203 {strides = array<i32>} : memref<16000xi32, #tpu.memory_space<vmem>>, vector<16xi32>,
          %add3A_208 = arith.constant 80 : i32
          %add3A_209 = arith.addi %mul3A_33, %add3A_208 : i32
          %get3A_210 = arith.index_cast %add3A_209 : i32 to index
          %get3A_211 = tpu.vector_load %arg6[%get3A_210] {strides = array<i32>} : memref<16000xi32, #tpu.memory_space<vmem>>, vector<16xi32>,
          %eq3A_212 = arith.cmpi eq, %get3A_211, %get3A_1 : vector<16xi32>
          %broadcast_in_dim3A_213 = vector.broadcast %scan3A_10 : i32 to vector<16xi32>
          %broadcast_in_dim3A_214 = vector.broadcast %scan3A_11 : i32 to vector<16xi32>
          %select_n3A_215 = arith.select %eq3A_212, %broadcast_in_dim3A_213, %broadcast_in_dim3A_214 : vector<16xi1>, vector<16xi32>
          %eq3A_216 = arith.cmpi eq, %get3A_211, %get3A_3 : vector<16xi32>
          %jit3A_217 = arith.constant 2 : i32
          %broadcast_in_dim3A_218 = vector.broadcast %jit3A_217 : i32 to vector<16xi32>
          %broadcast_in_dim3A_219 = vector.broadcast %scan3A_11 : i32 to vector<16xi32>
          %select_n3A_220 = arith.select %eq3A_216, %broadcast_in_dim3A_218, %broadcast_in_dim3A_219 : vector<16xi1>, vector<16xi32>
          %or3A_221 = arith.ori %select_n3A_215, %select_n3A_220 : vector<16xi32>
          %eq3A_222 = arith.cmpi eq, %get3A_211, %get3A_5 : vector<16xi32>
          %jit3A_223 = arith.constant 4 : i32
          %broadcast_in_dim3A_224 = vector.broadcast %jit3A_223 : i32 to vector<16xi32>
          %broadcast_in_dim3A_225 = vector.broadcast %scan3A_11 : i32 to vector<16xi32>
          %select_n3A_226 = arith.select %eq3A_222, %broadcast_in_dim3A_224, %broadcast_in_dim3A_225 : vector<16xi1>, vector<16xi32>
          %or3A_227 = arith.ori %or3A_221, %select_n3A_226 : vector<16xi32>
          %eq3A_228 = arith.cmpi eq, %get3A_211, %get3A_7 : vector<16xi32>
          %jit3A_229 = arith.constant 8 : i32
          %broadcast_in_dim3A_230 = vector.broadcast %jit3A_229 : i32 to vector<16xi32>
          %broadcast_in_dim3A_231 = vector.broadcast %scan3A_11 : i32 to vector<16xi32>
          %select_n3A_232 = arith.select %eq3A_228, %broadcast_in_dim3A_230, %broadcast_in_dim3A_231 : vector<16xi1>, vector<16xi32>
          %or3A_233 = arith.ori %or3A_227, %select_n3A_232 : vector<16xi32>
          %eq3A_234 = arith.cmpi eq, %get3A_211, %get3A_9 : vector<16xi32>
          %jit3A_235 = arith.constant 16 : i32
          %broadcast_in_dim3A_236 = vector.broadcast %jit3A_235 : i32 to vector<16xi32>
          %broadcast_in_dim3A_237 = vector.broadcast %scan3A_11 : i32 to vector<16xi32>
          %select_n3A_238 = arith.select %eq3A_234, %broadcast_in_dim3A_236, %broadcast_in_dim3A_237 : vector<16xi1>, vector<16xi32>
          %or3A_239 = arith.ori %or3A_233, %select_n3A_238 : vector<16xi32>
          %add3A_240 = arith.constant 80 : i32
          %add3A_241 = arith.addi %mul3A_33, %add3A_240 : i32
          %swap3A_242 = arith.index_cast %add3A_241 : i32 to index
          %swap3A_243 = tpu.vector_load %arg7[%swap3A_242] {strides = array<i32>} : memref<16000xi32, #tpu.memory_space<vmem>>, vector<16xi32>,
          tpu.vector_store %arg7[%swap3A_242], %or3A_239 {strides = array<i32>} : memref<16000xi32, #tpu.memory_space<vmem>>, vector<16xi32>,
          %add3A_244 = arith.constant 96 : i32
          %add3A_245 = arith.addi %mul3A_33, %add3A_244 : i32
          %get3A_246 = arith.index_cast %add3A_245 : i32 to index
          %get3A_247 = tpu.vector_load %arg6[%get3A_246] {strides = array<i32>} : memref<16000xi32, #tpu.memory_space<vmem>>, vector<16xi32>,
          %eq3A_248 = arith.cmpi eq, %get3A_247, %get3A_1 : vector<16xi32>
          %broadcast_in_dim3A_249 = vector.broadcast %scan3A_10 : i32 to vector<16xi32>
          %broadcast_in_dim3A_250 = vector.broadcast %scan3A_11 : i32 to vector<16xi32>
          %select_n3A_251 = arith.select %eq3A_248, %broadcast_in_dim3A_249, %broadcast_in_dim3A_250 : vector<16xi1>, vector<16xi32>
          %eq3A_252 = arith.cmpi eq, %get3A_247, %get3A_3 : vector<16xi32>
          %jit3A_253 = arith.constant 2 : i32
          %broadcast_in_dim3A_254 = vector.broadcast %jit3A_253 : i32 to vector<16xi32>
          %broadcast_in_dim3A_255 = vector.broadcast %scan3A_11 : i32 to vector<16xi32>
          %select_n3A_256 = arith.select %eq3A_252, %broadcast_in_dim3A_254, %broadcast_in_dim3A_255 : vector<16xi1>, vector<16xi32>
          %or3A_257 = arith.ori %select_n3A_251, %select_n3A_256 : vector<16xi32>
          %eq3A_258 = arith.cmpi eq, %get3A_247, %get3A_5 : vector<16xi32>
          %jit3A_259 = arith.constant 4 : i32
          %broadcast_in_dim3A_260 = vector.broadcast %jit3A_259 : i32 to vector<16xi32>
          %broadcast_in_dim3A_261 = vector.broadcast %scan3A_11 : i32 to vector<16xi32>
          %select_n3A_262 = arith.select %eq3A_258, %broadcast_in_dim3A_260, %broadcast_in_dim3A_261 : vector<16xi1>, vector<16xi32>
          %or3A_263 = arith.ori %or3A_257, %select_n3A_262 : vector<16xi32>
          %eq3A_264 = arith.cmpi eq, %get3A_247, %get3A_7 : vector<16xi32>
          %jit3A_265 = arith.constant 8 : i32
          %broadcast_in_dim3A_266 = vector.broadcast %jit3A_265 : i32 to vector<16xi32>
          %broadcast_in_dim3A_267 = vector.broadcast %scan3A_11 : i32 to vector<16xi32>
          %select_n3A_268 = arith.select %eq3A_264, %broadcast_in_dim3A_266, %broadcast_in_dim3A_267 : vector<16xi1>, vector<16xi32>
          %or3A_269 = arith.ori %or3A_263, %select_n3A_268 : vector<16xi32>
          %eq3A_270 = arith.cmpi eq, %get3A_247, %get3A_9 : vector<16xi32>
          %jit3A_271 = arith.constant 16 : i32
          %broadcast_in_dim3A_272 = vector.broadcast %jit3A_271 : i32 to vector<16xi32>
          %broadcast_in_dim3A_273 = vector.broadcast %scan3A_11 : i32 to vector<16xi32>
          %select_n3A_274 = arith.select %eq3A_270, %broadcast_in_dim3A_272, %broadcast_in_dim3A_273 : vector<16xi1>, vector<16xi32>
          %or3A_275 = arith.ori %or3A_269, %select_n3A_274 : vector<16xi32>
          %add3A_276 = arith.constant 96 : i32
          %add3A_277 = arith.addi %mul3A_33, %add3A_276 : i32
          %swap3A_278 = arith.index_cast %add3A_277 : i32 to index
          %swap3A_279 = tpu.vector_load %arg7[%swap3A_278] {strides = array<i32>} : memref<16000xi32, #tpu.memory_space<vmem>>, vector<16xi32>,
          tpu.vector_store %arg7[%swap3A_278], %or3A_275 {strides = array<i32>} : memref<16000xi32, #tpu.memory_space<vmem>>, vector<16xi32>,
          %add3A_280 = arith.constant 112 : i32
          %add3A_281 = arith.addi %mul3A_33, %add3A_280 : i32
          %get3A_282 = arith.index_cast %add3A_281 : i32 to index
          %get3A_283 = tpu.vector_load %arg6[%get3A_282] {strides = array<i32>} : memref<16000xi32, #tpu.memory_space<vmem>>, vector<16xi32>,
          %eq3A_284 = arith.cmpi eq, %get3A_283, %get3A_1 : vector<16xi32>
          %broadcast_in_dim3A_285 = vector.broadcast %scan3A_10 : i32 to vector<16xi32>
          %broadcast_in_dim3A_286 = vector.broadcast %scan3A_11 : i32 to vector<16xi32>
          %select_n3A_287 = arith.select %eq3A_284, %broadcast_in_dim3A_285, %broadcast_in_dim3A_286 : vector<16xi1>, vector<16xi32>
          %eq3A_288 = arith.cmpi eq, %get3A_283, %get3A_3 : vector<16xi32>
          %jit3A_289 = arith.constant 2 : i32
          %broadcast_in_dim3A_290 = vector.broadcast %jit3A_289 : i32 to vector<16xi32>
          %broadcast_in_dim3A_291 = vector.broadcast %scan3A_11 : i32 to vector<16xi32>
          %select_n3A_292 = arith.select %eq3A_288, %broadcast_in_dim3A_290, %broadcast_in_dim3A_291 : vector<16xi1>, vector<16xi32>
          %or3A_293 = arith.ori %select_n3A_287, %select_n3A_292 : vector<16xi32>
          %eq3A_294 = arith.cmpi eq, %get3A_283, %get3A_5 : vector<16xi32>
          %jit3A_295 = arith.constant 4 : i32
          %broadcast_in_dim3A_296 = vector.broadcast %jit3A_295 : i32 to vector<16xi32>
          %broadcast_in_dim3A_297 = vector.broadcast %scan3A_11 : i32 to vector<16xi32>
          %select_n3A_298 = arith.select %eq3A_294, %broadcast_in_dim3A_296, %broadcast_in_dim3A_297 : vector<16xi1>, vector<16xi32>
          %or3A_299 = arith.ori %or3A_293, %select_n3A_298 : vector<16xi32>
          %eq3A_300 = arith.cmpi eq, %get3A_283, %get3A_7 : vector<16xi32>
          %jit3A_301 = arith.constant 8 : i32
          %broadcast_in_dim3A_302 = vector.broadcast %jit3A_301 : i32 to vector<16xi32>
          %broadcast_in_dim3A_303 = vector.broadcast %scan3A_11 : i32 to vector<16xi32>
          %select_n3A_304 = arith.select %eq3A_300, %broadcast_in_dim3A_302, %broadcast_in_dim3A_303 : vector<16xi1>, vector<16xi32>
          %or3A_305 = arith.ori %or3A_299, %select_n3A_304 : vector<16xi32>
          %eq3A_306 = arith.cmpi eq, %get3A_283, %get3A_9 : vector<16xi32>
          %jit3A_307 = arith.constant 16 : i32
          %broadcast_in_dim3A_308 = vector.broadcast %jit3A_307 : i32 to vector<16xi32>
          %broadcast_in_dim3A_309 = vector.broadcast %scan3A_11 : i32 to vector<16xi32>
          %select_n3A_310 = arith.select %eq3A_306, %broadcast_in_dim3A_308, %broadcast_in_dim3A_309 : vector<16xi1>, vector<16xi32>
          %or3A_311 = arith.ori %or3A_305, %select_n3A_310 : vector<16xi32>
          %add3A_312 = arith.constant 112 : i32
          %add3A_313 = arith.addi %mul3A_33, %add3A_312 : i32
          %swap3A_314 = arith.index_cast %add3A_313 : i32 to index
          %swap3A_315 = tpu.vector_load %arg7[%swap3A_314] {strides = array<i32>} : memref<16000xi32, #tpu.memory_space<vmem>>, vector<16xi32>,
          tpu.vector_store %arg7[%swap3A_314], %or3A_311 {strides = array<i32>} : memref<16000xi32, #tpu.memory_space<vmem>>, vector<16xi32>,
        }
        %scan3A_30 = arith.constant 125 : i32
        "tpu.region"() ({
          %run_scoped3A = tpu.sem_alloc : memref<!tpu.dma_semaphore, #tpu.memory_space<semaphore_mem>>
          %dma_start3A = tpu.memref_slice %arg4[%mul3A_24] : memref<2000000xi32, #tpu.memory_space<hbm>> -> memref<16000xi32, #tpu.memory_space<hbm>>
          %dma_start3A_31 = tpu.memref_slice %arg4[%mul3A_24] : memref<2000000xi32, #tpu.memory_space<hbm>> -> memref<16000xi32, #tpu.memory_space<hbm>>
          tpu.enqueue_dma source(%arg7 : memref<16000xi32, #tpu.memory_space<vmem>>) target(%dma_start3A_31 : memref<16000xi32, #tpu.memory_space<hbm>>) target_semaphore(%run_scoped3A : memref<!tpu.dma_semaphore, #tpu.memory_space<semaphore_mem>>)
          %dma_wait3A = tpu.memref_slice %arg4[%mul3A_24] : memref<2000000xi32, #tpu.memory_space<hbm>> -> memref<16000xi32, #tpu.memory_space<hbm>>
          %dma_wait3A_32 = tpu.memref_slice %arg4[%mul3A_24] : memref<2000000xi32, #tpu.memory_space<hbm>> -> memref<16000xi32, #tpu.memory_space<hbm>>
          tpu.wait_dma2 semaphore(%run_scoped3A : memref<!tpu.dma_semaphore, #tpu.memory_space<semaphore_mem>>) src(%arg7 : memref<16000xi32, #tpu.memory_space<vmem>>) dst(%dma_wait3A_32 : memref<16000xi32, #tpu.memory_space<hbm>>)
          tpu.yield
        }) : () -> ()
      } else {
      }
    }
    %scan3A_16 = arith.constant 4 : i32
    return
  }
}

</mosaic_0001>

<sc_bundles>
// kernel: kernel.3.cloned.1.call-start
scs
__scs_entry_jumppad:
0x0: {  	(pc) =	sbr.rel $0x88, $3  }
0x1: {  	(tag) =	ssettag $0x0;
	lr =	simm.s32 $0x1  }
0x2: {  	[smem:$0x3F9F] =	sst lr;
	_ =	strace $0xD0000000  }
0x3: {  	_ = 	snop  }
0x4: {  	_ = 	snop  }
0x5: {  	_ = 	snop  }
0x6: {  	_ = 	snop  }
0x7: {  	_ = 	snop  }
__scs_overlays_trampoline_lowered:
0x8: {  	[smem:$0x3FAE] =	sst s0  }
0x9: {  	[smem:$0x3FAF] =	sst s1  }
0xa: {  	[smem:$0x3FB0] =	sst s2  }
0xb: {  	[smem:$0x3FB1] =	sst s3  }
0xc: {  	[smem:$0x3FB2] =	sst s4  }
0xd: {  	[smem:$0x3FB3] =	sst s5  }
0xe: {  	[smem:$0x3FB4] =	sst s6  }
0xf: {  	[smem:$0x3FB5] =	sst s7  }
0x10: {  	[smem:$0x3FB6] =	sst s8  }
0x11: {  	[smem:$0x3FB7] =	sst s9;
	s0 =	simm.s32 @!p0 $0x0  }
0x12: {  	s1 =	sld [smem:$0x3F9D];
	s0 =	simm.s32 @p0 $0x1  }
0x13: {  	[smem:$0x3FB8] =	sst s0;
	s0 =	simm.s32 @!p1 $0x0  }
0x14: {  	s2 =	sld [smem:$0x3F9C];
	s0 =	simm.s32 @p1 $0x1  }
0x15: {  	[smem:$0x3FB9] =	sst s0;
	s0 =	simm.s32 @!p2 $0x0  }
0x16: {  	s3 =	sld [smem:$0x3FDB];
	s0 =	simm.s32 @p2 $0x1  }
0x17: {  	s4 =	simm.s32 $0x1BF5;
	[smem:$0x3FBB] =	sst s0  }
0x18: {  	s0 =	sld [smem:$0x3F9E];
	_ =	swait.ge [sflag:s4], $0x0  }
0x19: {  	s7 =	sld [smem:$0x3F9F]  }
0x1a: {  	s8 =	sadd.s32 $0xFFFFE003, lr  }
0x1b: {  	s9 =	sadd.s32 $0xFFFFFEF7, lr;
	s5 =	simm.s32 $0xFFFFFFFF;
	p2 =	slt.u32 s8, $0xFFFFF086  }
0x1c: {  	p1 =	slt.u32 s9, $0xF7A;
	s5 =	simm.s32 @!p2 $0x0  }
0x1d: {  	s5 =	simm.s32 @p1 $0x1;
	p0 =	seq.s32 s7, s2  }
0x1e: {  	s7 =	smul.u32 @!p0 $0xF7A, s2;
	p2 =	seq.s32 @!p0 s5, $0x0  }
0x1f: {  	s9 =	smul.u32 $0xF7A, s1;
	s8 =	simm.s32 @!p0 $0x1BF5;
	p2 =	por !p2, p0  }
0x20: {  	[sflag:s8] =	ssyncset.s32 @!p0 $0xFFFFF086;
	s6 =	sadd.s32 @!p0 s3, s7;
	s7 =	simm.s32 @!p0 $0x108  }
0x21: {  	s3 =	sadd.s32 s3, s9;
	s6 =	sadd.s32 @!p0 $0x88, s6;
	s7 =	simm.s32 @p2 $0x1082  }
0x22: {  	[simem:s7], [sflag:s8] =	dma.local @!p0 [hbm:s6], $0xF7A  }
0x23: {  	s9 =	sor.u32 $0xD0000000, s2;
	s6 =	simm.s32 $0x108;
	_ =	swait.ge @!p0 [sflag:s8], $0x0  }
0x24: {  	s3 =	sadd.s32 $0x88, s3;
	s6 =	simm.s32 @!p1 $0x1082;
	[sflag:s4] =	ssyncset.s32 $0xFFFFF086  }
0x25: {  	[simem:s6], [sflag:s4] =	dma.local [hbm:s3], $0xF7A  }
0x26: {  	[smem:$0x3F9F] =	sst s1;
	(tag) =	ssettag s2;
	_ =	strace s9  }
0x27: {  	s1 =	sld [smem:$0x3FAF]  }
0x28: {  	s2 =	sld [smem:$0x3FB0]  }
0x29: {  	s4 =	sld [smem:$0x3FB2]  }
0x2a: {  	p0 =	seq.s32 s5, $0x0;
	s5 =	sld [smem:$0x3FB3]  }
0x2b: {  	s6 =	sld [smem:$0x3FB4]  }
0x2c: {  	s7 =	sld [smem:$0x3FB5]  }
0x2d: {  	s3 =	simm.s32 $0x108;
	s8 =	sld [smem:$0x3FB6]  }
0x2e: {  	s3 =	simm.s32 @!p0 $0x1082;
	s9 =	sld [smem:$0x3FB7]  }
0x2f: {  	lr =	sadd.s32 s0, s3;
	s0 =	sld [smem:$0x3FAE]  }
0x30: {  	s3 =	sld [smem:$0x3FB1]  }
0x31: {  	[smem:$0x3FBA] =	sst s10  }
0x32: {  	s10 =	sld [smem:$0x3FB8];
	_ =	sdelay $0x3  }
0x33: {  	p0 =	seq.s32 s10, $0x1;
	s10 =	sld [smem:$0x3FBA];
	_ =	sdelay $0x3  }
0x34: {  	[smem:$0x3FBA] =	sst s10  }
0x35: {  	s10 =	sld [smem:$0x3FB9];
	_ =	sdelay $0x3  }
0x36: {  	p1 =	seq.s32 s10, $0x1;
	s10 =	sld [smem:$0x3FBA];
	_ =	sdelay $0x3  }
0x37: {  	[smem:$0x3FBA] =	sst s10  }
0x38: {  	s10 =	sld [smem:$0x3FBB]  }
0x39: {  	_ = 	snop;
	(pc) =	sbr.ind lr, $3  }
0x3a: {  	_ = 	snop  }
0x3b: {  	_ = 	snop  }
0x3c: {  	p2 =	seq.s32 s10, $0x1;
	s10 =	sld [smem:$0x3FBA]  }
0x3d: {  	_ =	shalt  }
0x3e: {  	_ =	shalt  }
0x3f: {  	_ =	shalt  }
0x40: {  	_ =	shalt  }
0x41: {  	_ =	shalt  }
0x42: {  	_ =	shalt  }
0x43: {  	_ =	shalt  }
0x44: {  	_ =	shalt  }
0x45: {  	_ =	shalt  }
0x46: {  	_ =	shalt  }
0x47: {  	_ =	shalt  }
0x48: {  	_ =	shalt  }
0x49: {  	_ =	shalt  }
0x4a: {  	_ =	shalt  }
0x4b: {  	_ =	shalt  }
0x4c: {  	_ =	shalt  }
0x4d: {  	_ =	shalt  }
0x4e: {  	_ =	shalt  }
0x4f: {  	_ =	shalt  }
0x50: {  	_ =	shalt  }
0x51: {  	_ =	shalt  }
0x52: {  	_ =	shalt  }
0x53: {  	_ =	shalt  }
0x54: {  	_ =	shalt  }
0x55: {  	_ =	shalt  }
0x56: {  	_ =	shalt  }
0x57: {  	_ =	shalt  }
0x58: {  	_ =	shalt  }
0x59: {  	_ =	shalt  }
0x5a: {  	_ =	shalt  }
0x5b: {  	_ =	shalt  }
0x5c: {  	_ =	shalt  }
0x5d: {  	_ =	shalt  }
0x5e: {  	_ =	shalt  }
0x5f: {  	_ =	shalt  }
0x60: {  	_ =	shalt  }
0x61: {  	_ =	shalt  }
0x62: {  	_ =	shalt  }
0x63: {  	_ =	shalt  }
0x64: {  	_ =	shalt  }
0x65: {  	_ =	shalt  }
0x66: {  	_ =	shalt  }
0x67: {  	_ =	shalt  }
0x68: {  	_ =	shalt  }
0x69: {  	_ =	shalt  }
0x6a: {  	_ =	shalt  }
0x6b: {  	_ =	shalt  }
0x6c: {  	_ =	shalt  }
0x6d: {  	_ =	shalt  }
0x6e: {  	_ =	shalt  }
0x6f: {  	_ =	shalt  }
0x70: {  	_ =	shalt  }
0x71: {  	_ =	shalt  }
0x72: {  	_ =	shalt  }
0x73: {  	_ =	shalt  }
0x74: {  	_ =	shalt  }
0x75: {  	_ =	shalt  }
0x76: {  	_ =	shalt  }
0x77: {  	_ =	shalt  }
0x78: {  	_ =	shalt  }
0x79: {  	_ =	shalt  }
0x7a: {  	_ =	shalt  }
0x7b: {  	_ =	shalt  }
0x7c: {  	_ =	shalt  }
0x7d: {  	_ =	shalt  }
0x7e: {  	_ =	shalt  }
0x7f: {  	_ =	shalt  }
0x80: {  	_ =	shalt  }
0x81: {  	_ =	shalt  }
0x82: {  	_ =	shalt  }
0x83: {  	_ =	shalt  }
0x84: {  	_ =	shalt  }
0x85: {  	_ =	shalt  }
0x86: {  	_ =	shalt  }
0x87: {  	_ =	shalt  }
.Lfunc_end0:
.L_simem_size_0:
called_computation_lowered:
.L_overlay_start_0:
0x88: {  	s2 =	sld [smem:$0x3FD9]  }
0x89: {  	s3 =	sld [smem:$0x3FFE];
	_ =	sdelay $0x1  }
0x8a: {  	s1 =	srdreg.scid  }
0x8b: {  	s0 =	sand.u32 $0x1, s1  }
0x8c: {  	s17 =	sshll.u32 s0, $0xA;
	s2 =	sadd.s32 s3, s2  }
0x8d: {  	s2 =	sadd.s32 s2, s17  }
0x8e: {  	[smem:$0x3FC6] =	sst s2  }
0x8f: {  	_ = 	snop  }
0x90: {  	s2 =	sld [smem:$0x3FC9]  }
0x91: {  	s18 =	sld [smem:$0x3FD0];
	(tm) =	ssettm $0x1  }
0x92: {  	s4 =	sld [smem:$0x3FFB];
	_ =	sdelay $0x3  }
0x93: {  	_ =	strace s4  }
0x94: {  	s4 =	sld [smem:$0x3FFC];
	_ =	sdelay $0x3  }
0x95: {  	_ =	strace s4  }
0x96: {  	s4 =	sld [smem:$0x3FFD];
	_ =	sdelay $0x3  }
0x97: {  	_ =	strace s4  }
0x98: {  	_ =	strace $0x8FFFFFFF  }
0x99: {  	s19 =	sld [smem:$0x3FDB];
	_ =	sdelay $0x1  }
0x9a: {  	s5 =	simm.s32 $_scs_section_size  }
0x9b: {  	s6 =	simm.s32 $_size__tile_overlayer_lowered;
	s7 =	simm.s32 $_tile_overlayer_lowered  }
0x9c: {  	s22 =	simm.s32 $0x1BFF;
	s21 =	sshll.u32 s7, $0x1;
	s4 =	sadd.s32 s5, s19  }
0x9d: {  	s8 =	simm.s32 $0x0;
	s20 =	sshll.u32 s6, $0x1;
	s6 =	sadd.s32 s21, s4  }
0x9e: {  	[timem:s8], [sflag:s22] =	dma.local [hbm:s6], s20  }
0x9f: {  	_ =	swait.ge [sflag:s22], s20  }
0xa0: {  	s5 =	ssub.s32 $0x0, s20;
	[sflag:s22] =	ssyncset.done $0x0  }
0xa1: {  	[sflag:s22] =	ssyncadd.s32 s5;
	_ =	sdelay $0x1  }
0xa2: {  	s23 =	simm.s32 $0x1B8B  }
0xa3: {  	_ =	swait.ge [sflag:s23], $0x1  }
0xa4: {  	[sflag:s23] =	ssyncset.done $0x0  }
0xa5: {  	s25 =	simm.s32 $0x1B8E;
	s24 =	sld [smem:$0x3FFE];
	[sflag:s23] =	ssyncadd.s32 $0xFFFFFFFF  }
0xa6: {  	s26 =	simm.s32 $execute0_lowered;
	[smem:$0x3FD2] =	sst s25  }
0xa7: {  	s6 =	sshll.u32 s26, $0x1;
	_ =	strace $0x80000046;
	[dreg:$0x1] =	wrdreg $0xFFFFFFFF  }
0xa8: {  	s28 =	simm.s32 $_size_execute0_lowered;
	s4 =	sadd.s32 s4, s6;
	[dreg:$0x0] =	wrdreg $0x0  }
0xa9: {  	s6 =	sshll.u32 s28, $0x1;
	[dreg:$0x2] =	wrdreg s4  }
0xaa: {  	[dreg:$0x3] =	wrdreg s6  }
0xab: {  	[dreg:$0x4] =	wrdreg $0xC0  }
0xac: {  	_ =	task [dreg:s8], $0x5FFFF  }
0xad: {  	[dreg:$0x1] =	wrdreg $0xFFFFFFFF  }
0xae: {  	[dreg:$0x0] =	wrdreg $0x60  }
0xaf: {  	[dreg:$0x2] =	wrdreg s2  }
0xb0: {  	[dreg:$0x3] =	wrdreg s18  }
0xb1: {  	[dreg:$0x4] =	wrdreg s24  }
0xb2: {  	[dreg:$0x5] =	wrdreg $0x9  }
0xb3: {  	_ =	task.clear_ibuf [dreg:s8], $0x6FFFF;
	_ =	strace $0x90000046  }
0xb4: {  	s29 =	simm.s32 $0x9;
	_ =	strace $0x80000048  }
0xb5: {  	_ =	swait.ge [sflag:s29], $0x1  }
0xb6: {  	[sflag:s29] =	ssyncadd.s32 $0xFFFFFFFF  }
0xb7: {  	_ =	strace $0x90000048  }
0xb8: {  	_ =	sfence  }
0xb9: {  	s30 =	sld [smem:$0x0];
	_ =	sdelay $0x2  }
0xba: {  	s31 =	sshll.u32 s1, $0xD;
	s1 =	sshrl.u32 s1, $0x2  }
0xbb: {  	s3 =	sand.u32 $0x4000, s31;
	s1 =	sadd.s32 s1, s30  }
0xbc: {  	s0 =	sor.u32 s3, s0;
	s1 =	sshll.u32 s1, $0x11  }
0xbd: {  	s0 =	sor.u32 s1, s0  }
0xbe: {  	s0 =	sadd.s32 $0x8F2B, s0  }
0xbf: {  	[sflag:s0] =	ssyncadd.remote.s32 $0x1  }
0xc0: {  	_ =	sfence.sel $0xFFFF  }
0xc1: {  	[dreg:$0x0] =	wrdreg $0xFFFFFFFF;
	(pc) =	sbr.abs _section_cstart, $3  }
0xc2: {  	[dreg:$0x1] =	wrdreg $0xFFFFFFFF  }
0xc3: {  	_ =	task.clear_ibuf [dreg:s8], $0x2FFFF;
	_ =	strace $0x9FFFFFFF  }
0xc4: {  	(tm) =	ssettm $0x7FFFFFFF  }
0xc5: {  	_ =	shalt  }
tec
execute0_lowered:
.L_overlay_start_1:
0x0: {  	(tag) =	ssettag $0x1  }
0x1: {  	s1 =	rddreg [dreg:$0x0]  }
0x2: {  	s2 =	rddreg [dreg:$0x1]  }
0x3: {  	s6 =	rddreg [dreg:$0x2];
	s4 =	srdreg.scid  }
0x4: {  	s0 =	rddreg [dreg:$0x3];
	s3 =	simm.s32 $0x0;
	s9 =	simm.s32 $0x1  }
.Ltmp0:
0x5: {  	s10 =	simm.s32 $0x80;
	s5 =	sand.u32 $0x1, s4;
	(pc) =	sbr.rel .LBB2_1-.Ltmp0, $4  }
0x6: {  	s11 =	simm.s32 $0x2;
	s12 =	simm.s32 $0x3F00;
	s7 =	ssub.s32 $0x2, s5  }
0x7: {  	s13 =	simm.s32 $0x0;
	[smem:$0x7FF] =	sst s3;
	s8 =	sshrl.u32 s7, $0x1  }
0x8: {  	s4 =	stileid.u32;
	s6 =	sadd.s32 $0x400, s6;
	s8 =	ssub.s32 s7, s8  }
0x9: {  	v0 =	vimm.s32 $0x0;
	_ =	strace $0x80000047;
	s7 =	sshll.u32 s4, $0x1;
	s8 =	smax.u32 s8, $0x1  }
.LBB2_7:
0xa: {  	s13 =	sadd.s32 $0x1, s13  }
0xb: {  	p0 =	sne.s32 s13, s8  }
.Ltmp1:
0xc: {  	_ = 	snop;
	(pc) =	sbr.rel @!p0 .LBB2_8-.Ltmp1, $1  }
0xd: {  	_ =	sdelay $0x3  }
.LBB2_1:
0xe: {  	[tilespmem:s3], [sflag:$0x1] =	stream.linear.gather [hbm4b:s2+s3], $0x80, $0x38;
	[tilespmem:$0x7D80] =	vst v63  }
0xf: {  	_ =	swait.ge [sflag:s9], $0x80  }
0x10: {  	[sflag:s9] =	ssyncset.done $0x0  }
0x11: {  	[sflag:s9] =	ssyncadd.s32 $0xFFFFFF80  }
.Ltmp2:
0x12: {  	v1 =	vld [tilespmem:$0x0];
	(pc) =	sbr.rel .LBB2_2-.Ltmp2, $4  }
0x13: {  	v2 =	vld [tilespmem:$0x10]  }
0x14: {  	v3 =	vld [tilespmem:$0x20]  }
0x15: {  	v4 =	vld [tilespmem:$0x30]  }
0x16: {  	s14 =	simm.s32 $0x0;
	v5 =	vld [tilespmem:$0x40]  }
.LBB2_6:
0x17: {  	s14 =	sadd.s32 $0x1, s14  }
0x18: {  	p0 =	sne.s32 s14, $0x4  }
.Ltmp3:
0x19: {  	_ = 	snop;
	(pc) =	sbr.rel @!p0 .LBB2_7-.Ltmp3, $1  }
0x1a: {  	_ =	sdelay $0x3  }
.LBB2_2:
0x1b: {  	s15 =	sshll.u32 s14, $0x5  }
0x1c: {  	s15 =	sor.u32 s15, s7  }
0x1d: {  	s15 =	sor.u32 s5, s15  }
0x1e: {  	p0 =	sgt.u32 s15, $0x7C  }
.Ltmp4:
0x1f: {  	_ = 	snop;
	(pc) =	sbr.rel @p0 .LBB2_6-.Ltmp4, $1  }
0x20: {  	_ =	sdelay $0x3  }
0x21: {  	s15 =	smul.u32 $0x7D0, s15;
	_ =	sdelay $0x1  }
0x22: {  	s17 =	simm.s32 $0x0;
	s16 =	sadd.s32 s1, s15  }
0x23: {  	[tilespmem:s10], [sflag:$0x2] =	stream.linear.gather [hbm4b:s16+s17], $0x3E80, $0x38;
	[tilespmem:$0x7D80] =	vst v63  }
0x24: {  	_ =	swait.ge [sflag:s11], $0x3E80  }
0x25: {  	[sflag:s11] =	ssyncset.done $0x0  }
0x26: {  	s16 =	simm.s32 $0x0;
	[sflag:s11] =	ssyncadd.s32 $0xFFFFC180  }
0x27: {  	v6 =	vld [tilespmem:s16+$0xF0]  }
0x28: {  	v8 =	vld [tilespmem:s16+$0x90]  }
0x29: {  	v9 =	vld [tilespmem:s16+$0xA0]  }
0x2a: {  	v10 =	vld [tilespmem:s16+$0xB0]  }
0x2b: {  	v13 =	vld [tilespmem:s16+$0xC0]  }
0x2c: {  	v14 =	vld [tilespmem:s16+$0xD0];
	_ =	sdelay $0x1  }
0x2d: {  	v7 =	vld [tilespmem:s16+$0x80];
	vm0 =	veq.s32 v6, v1;
	vm1 =	veq.s32 v6, v2  }
0x2e: {  	vm2 =	veq.s32 v8, v1;
	vm3 =	veq.s32 v8, v2;
	vm4 =	veq.s32 v9, v1  }
0x2f: {  	vm5 =	veq.s32 v9, v2;
	vm6 =	veq.s32 v10, v1;
	vm7 =	veq.s32 v10, v2  }
0x30: {  	vm8 =	veq.s32 v13, v1;
	vm9 =	veq.s32 v13, v2;
	vm10 =	veq.s32 v14, v1  }
0x31: {  	vm11 =	veq.s32 v14, v2;
	v11 =	vsel vm0, $0x1, v0;
	v12 =	vsel vm1, $0x2, v0  }
0x32: {  	vm0 =	veq.s32 v6, v3;
	vm1 =	veq.s32 v7, v1;
	v16 =	vsel vm2, $0x1, v0  }
0x33: {  	v17 =	vsel vm3, $0x2, v0;
	v18 =	vsel vm4, $0x1, v0;
	v19 =	vsel vm5, $0x2, v0  }
0x34: {  	v20 =	vsel vm6, $0x1, v0;
	v21 =	vsel vm7, $0x2, v0;
	v22 =	vsel vm8, $0x1, v0  }
0x35: {  	v23 =	vsel vm9, $0x2, v0;
	v24 =	vsel vm10, $0x1, v0;
	v25 =	vsel vm11, $0x2, v0  }
0x36: {  	vm2 =	veq.s32 v9, v3;
	vm3 =	veq.s32 v10, v3;
	vm4 =	veq.s32 v13, v3  }
0x37: {  	vm5 =	veq.s32 v14, v3;
	v11 =	vor.u32 v11, v12;
	v12 =	vsel vm0, $0x4, v0  }
0x38: {  	vm0 =	veq.s32 v6, v4;
	v16 =	vor.u32 v16, v17;
	v47 =	vor.u32 v18, v19  }
0x39: {  	v48 =	vor.u32 v20, v21;
	v49 =	vor.u32 v22, v23;
	v50 =	vor.u32 v24, v25  }
0x3a: {  	v53 =	vsel vm2, $0x4, v0;
	v54 =	vsel vm3, $0x4, v0;
	v55 =	vsel vm4, $0x4, v0  }
0x3b: {  	v56 =	vsel vm5, $0x4, v0;
	vm2 =	veq.s32 v9, v4;
	vm3 =	veq.s32 v10, v4  }
0x3c: {  	vm4 =	veq.s32 v13, v4;
	vm5 =	veq.s32 v14, v4;
	v11 =	vor.u32 v12, v11  }
0x3d: {  	v12 =	vsel vm0, $0x8, v0;
	vm0 =	veq.s32 v6, v5;
	v17 =	vor.u32 v53, v47  }
0x3e: {  	v18 =	vor.u32 v54, v48;
	v19 =	vor.u32 v55, v49;
	v20 =	vor.u32 v56, v50  }
0x3f: {  	v60 =	vsel vm2, $0x8, v0;
	v61 =	vsel vm3, $0x8, v0;
	v62 =	vsel vm4, $0x8, v0  }
0x40: {  	v63 =	vsel vm5, $0x8, v0;
	vm2 =	veq.s32 v7, v5;
	vm3 =	veq.s32 v8, v5  }
0x41: {  	v6 =	vld [tilespmem:s16+$0xE0];
	vm4 =	veq.s32 v10, v5;
	v11 =	vor.u32 v12, v11;
	v12 =	vsel vm0, $0x10, v0  }
0x42: {  	vm5 =	veq.s32 v14, v5;
	vm0 =	veq.s32 v7, v2;
	v11 =	vor.u32 v12, v11  }
0x43: {  	v12 =	vsel vm1, $0x1, v0;
	v15 =	vsel vm0, $0x2, v0;
	vm0 =	veq.s32 v7, v3  }
0x44: {  	v12 =	vor.u32 v12, v15;
	v51 =	vsel vm0, $0x4, v0;
	vm0 =	veq.s32 v7, v4  }
0x45: {  	[tilespmem:s16+$0x3F70] =	vst v11;
	v11 =	vor.u32 v63, v20;
	v12 =	vor.u32 v51, v12;
	v58 =	vsel vm0, $0x8, v0  }
0x46: {  	vm1 =	veq.s32 v6, v1;
	vm12 =	veq.s32 v6, v2;
	vm6 =	veq.s32 v6, v3  }
0x47: {  	vm0 =	veq.s32 v6, v5;
	v26 =	vsel vm1, $0x1, v0;
	vm1 =	veq.s32 v8, v3  }
0x48: {  	v15 =	vsel vm12, $0x2, v0;
	v57 =	vsel vm6, $0x4, v0;
	vm6 =	veq.s32 v6, v4  }
0x49: {  	v15 =	vor.u32 v26, v15;
	v52 =	vsel vm1, $0x4, v0;
	vm1 =	veq.s32 v8, v4  }
0x4a: {  	v7 =	vsel vm6, $0x8, v0;
	vm6 =	veq.s32 v9, v5;
	v8 =	vor.u32 v58, v12  }
0x4b: {  	v9 =	vor.u32 v60, v17;
	v12 =	vor.u32 v61, v18;
	v16 =	vor.u32 v52, v16  }
0x4c: {  	v15 =	vor.u32 v57, v15;
	v59 =	vsel vm1, $0x8, v0;
	vm1 =	veq.s32 v13, v5  }
0x4d: {  	s18 =	simm.s32 $0x400;
	s17 =	simm.s32 $0x80;
	v13 =	vor.u32 v62, v19;
	v14 =	vor.u32 v59, v16;
	v10 =	vor.u32 v7, v15  }
.LBB2_4:
0x4e: {  	p0 =	sne.s32 s18, $0xF800;
	v15 =	vld [tilespmem:s17+$0xF0];
	v16 =	vsel vm2, $0x10, v0;
	v17 =	vsel vm3, $0x10, v0;
	v18 =	vsel vm6, $0x10, v0  }
0x4f: {  	v19 =	vsel vm4, $0x10, v0;
	v20 =	vsel vm1, $0x10, v0;
	v21 =	vsel vm5, $0x10, v0;
	v6 =	vld [tilespmem:s17+$0x80]  }
0x50: {  	v16 =	vor.u32 v16, v8;
	v14 =	vor.u32 v17, v14;
	v17 =	vsel vm0, $0x10, v0;
	v7 =	vld [tilespmem:s17+$0x90]  }
0x51: {  	v12 =	vor.u32 v19, v12;
	v13 =	vor.u32 v20, v13;
	v8 =	vld [tilespmem:s17+$0xA0];
	[tilespmem:s16+$0x3F00] =	vst v16;
	v16 =	vor.u32 v18, v9  }
0x52: {  	v11 =	vor.u32 v21, v11;
	v10 =	vor.u32 v17, v10;
	v9 =	vld [tilespmem:s17+$0xB0];
	[tilespmem:s16+$0x3F10] =	vst v14  }
0x53: {  	v14 =	vld [tilespmem:s17+$0xC0];
	vm0 =	veq.s32 v15, v1;
	vm1 =	veq.s32 v15, v2;
	[tilespmem:s16+$0x3F20] =	vst v16  }
0x54: {  	v16 =	vld [tilespmem:s17+$0xD0];
	v17 =	vsel vm0, $0x1, v0;
	v18 =	vsel vm1, $0x2, v0;
	vm0 =	veq.s32 v15, v3;
	[tilespmem:s16+$0x3F30] =	vst v12  }
0x55: {  	v12 =	vld [tilespmem:s17+$0xE0];
	v17 =	vor.u32 v17, v18;
	v18 =	vsel vm0, $0x4, v0;
	vm0 =	veq.s32 v15, v4;
	[tilespmem:s16+$0x3F40] =	vst v13  }
0x56: {  	v13 =	vor.u32 v18, v17;
	v17 =	vsel vm0, $0x8, v0;
	vm0 =	veq.s32 v15, v5;
	[tilespmem:s16+$0x3F50] =	vst v11  }
0x57: {  	vm1 =	veq.s32 v6, v1;
	v11 =	vor.u32 v17, v13;
	v13 =	vsel vm0, $0x10, v0;
	[tilespmem:s16+$0x3F60] =	vst v10;
	s16 =	smov.u32 s17  }
0x58: {  	vm2 =	veq.s32 v7, v1;
	vm0 =	veq.s32 v6, v2;
	v10 =	vor.u32 v13, v11  }
0x59: {  	vm3 =	veq.s32 v7, v2;
	vm4 =	veq.s32 v8, v1;
	vm5 =	veq.s32 v8, v2;
	[tilespmem:s16+$0x3F70] =	vst v10  }
0x5a: {  	vm6 =	veq.s32 v9, v1;
	vm7 =	veq.s32 v9, v2;
	vm8 =	veq.s32 v14, v1  }
0x5b: {  	vm9 =	veq.s32 v14, v2;
	vm10 =	veq.s32 v16, v1;
	vm11 =	veq.s32 v16, v2  }
0x5c: {  	v10 =	vsel vm1, $0x1, v0;
	vm1 =	veq.s32 v12, v1;
	vm12 =	veq.s32 v12, v2  }
0x5d: {  	v15 =	vsel vm3, $0x2, v0;
	v11 =	vsel vm0, $0x2, v0;
	v13 =	vsel vm2, $0x1, v0  }
0x5e: {  	v17 =	vsel vm4, $0x1, v0;
	v18 =	vsel vm5, $0x2, v0;
	v19 =	vsel vm6, $0x1, v0  }
0x5f: {  	v20 =	vsel vm7, $0x2, v0;
	v21 =	vsel vm8, $0x1, v0;
	v22 =	vsel vm9, $0x2, v0  }
0x60: {  	v23 =	vsel vm10, $0x1, v0;
	v24 =	vsel vm11, $0x2, v0;
	v25 =	vsel vm1, $0x1, v0  }
0x61: {  	vm0 =	veq.s32 v6, v3;
	vm1 =	veq.s32 v7, v3;
	v26 =	vsel vm12, $0x2, v0  }
0x62: {  	vm3 =	veq.s32 v9, v3;
	vm2 =	veq.s32 v8, v3;
	vm4 =	veq.s32 v14, v3  }
0x63: {  	vm5 =	veq.s32 v16, v3;
	v10 =	vor.u32 v10, v11;
	vm6 =	veq.s32 v12, v3  }
0x64: {  	v11 =	vor.u32 v13, v15;
	v13 =	vor.u32 v17, v18;
	v15 =	vor.u32 v19, v20  }
0x65: {  	v17 =	vor.u32 v21, v22;
	v18 =	vor.u32 v23, v24;
	v19 =	vor.u32 v25, v26  }
0x66: {  	v20 =	vsel vm0, $0x4, v0;
	v22 =	vsel vm2, $0x4, v0;
	v21 =	vsel vm1, $0x4, v0  }
0x67: {  	v23 =	vsel vm3, $0x4, v0;
	v24 =	vsel vm4, $0x4, v0;
	v25 =	vsel vm5, $0x4, v0  }
0x68: {  	vm0 =	veq.s32 v6, v4;
	vm1 =	veq.s32 v7, v4;
	v26 =	vsel vm6, $0x4, v0  }
0x69: {  	vm2 =	veq.s32 v8, v4;
	vm3 =	veq.s32 v9, v4;
	vm4 =	veq.s32 v14, v4  }
0x6a: {  	v10 =	vor.u32 v20, v10;
	vm5 =	veq.s32 v16, v4;
	vm6 =	veq.s32 v12, v4  }
0x6b: {  	v13 =	vor.u32 v22, v13;
	v15 =	vor.u32 v23, v15;
	v11 =	vor.u32 v21, v11  }
0x6c: {  	v17 =	vor.u32 v24, v17;
	v18 =	vor.u32 v25, v18;
	v19 =	vor.u32 v26, v19  }
0x6d: {  	v20 =	vsel vm0, $0x8, v0;
	v22 =	vsel vm2, $0x8, v0;
	v21 =	vsel vm1, $0x8, v0  }
0x6e: {  	v23 =	vsel vm3, $0x8, v0;
	v24 =	vsel vm4, $0x8, v0;
	v25 =	vsel vm5, $0x8, v0  }
.Ltmp5:
0x6f: {  	vm2 =	veq.s32 v6, v5;
	vm3 =	veq.s32 v7, v5;
	v6 =	vsel vm6, $0x8, v0;
	(pc) =	sbr.rel @p0 .LBB2_4-.Ltmp5, $4  }
0x70: {  	vm4 =	veq.s32 v9, v5;
	vm6 =	veq.s32 v8, v5;
	vm1 =	veq.s32 v14, v5  }
0x71: {  	vm0 =	veq.s32 v12, v5;
	v8 =	vor.u32 v20, v10;
	vm5 =	veq.s32 v16, v5  }
0x72: {  	v9 =	vor.u32 v22, v13;
	v12 =	vor.u32 v23, v15;
	v14 =	vor.u32 v21, v11  }
0x73: {  	s17 =	sshra.s32 s18, $0x2;
	s18 =	sadd.s32 $0x200, s18;
	v13 =	vor.u32 v24, v17;
	v11 =	vor.u32 v25, v18;
	v10 =	vor.u32 v6, v19  }
0x74: {  	v6 =	vld [tilespmem:s17+$0xF0];
	v15 =	vsel vm2, $0x10, v0;
	v16 =	vsel vm3, $0x10, v0  }
0x75: {  	v7 =	vld [tilespmem:s17+$0x80];
	v18 =	vsel vm6, $0x10, v0;
	v19 =	vsel vm4, $0x10, v0;
	v20 =	vsel vm1, $0x10, v0  }
0x76: {  	v17 =	vld [tilespmem:s17+$0x90];
	v21 =	vsel vm5, $0x10, v0;
	v62 =	vsel vm0, $0x10, v0;
	v8 =	vor.u32 v15, v8  }
0x77: {  	v61 =	vld [tilespmem:s17+$0xA0];
	v14 =	vor.u32 v16, v14;
	v9 =	vor.u32 v18, v9;
	v12 =	vor.u32 v19, v12  }
0x78: {  	v13 =	vor.u32 v20, v13;
	v11 =	vor.u32 v21, v11;
	[tilespmem:s16+$0x3F00] =	vst v8;
	v8 =	vor.u32 v62, v10  }
0x79: {  	vm10 =	veq.s32 v6, v1;
	vm11 =	veq.s32 v6, v2;
	vm12 =	veq.s32 v6, v3  }
0x7a: {  	vm13 =	veq.s32 v6, v4;
	vm14 =	veq.s32 v6, v5;
	vm15 =	veq.s32 v7, v1  }
0x7b: {  	vm0 =	veq.s32 v7, v2;
	vm2 =	veq.s32 v17, v1;
	vm3 =	veq.s32 v17, v2  }
0x7c: {  	vm4 =	veq.s32 v61, v1;
	vm5 =	veq.s32 v61, v2;
	v24 =	vsel vm10, $0x1, v0  }
0x7d: {  	v63 =	vld [tilespmem:s17+$0xB0];
	[tilespmem:s16+$0x3F10] =	vst v14;
	v25 =	vsel vm11, $0x2, v0;
	v27 =	vsel vm12, $0x4, v0;
	v29 =	vsel vm13, $0x8, v0  }
0x7e: {  	v14 =	vld [tilespmem:s17+$0xC0];
	v30 =	vsel vm14, $0x10, v0;
	v31 =	vsel vm15, $0x1, v0;
	v32 =	vsel vm0, $0x2, v0  }
0x7f: {  	[tilespmem:s16+$0x3F20] =	vst v9;
	v33 =	vsel vm2, $0x1, v0;
	v34 =	vsel vm3, $0x2, v0;
	v35 =	vsel vm4, $0x1, v0  }
0x80: {  	v28 =	vld [tilespmem:s17+$0xD0];
	[tilespmem:s16+$0x3F30] =	vst v12;
	v22 =	vsel vm5, $0x2, v0;
	v26 =	vor.u32 v24, v25;
	v12 =	vor.u32 v31, v32  }
0x81: {  	v19 =	vor.u32 v33, v34;
	v21 =	vor.u32 v35, v22;
	v9 =	vor.u32 v27, v26  }
0x82: {  	vm6 =	veq.s32 v63, v1;
	vm7 =	veq.s32 v63, v2;
	v9 =	vor.u32 v29, v9  }
0x83: {  	v6 =	vld [tilespmem:s17+$0xE0];
	vm8 =	veq.s32 v14, v1;
	vm9 =	veq.s32 v14, v2;
	v23 =	vsel vm6, $0x1, v0  }
0x84: {  	v24 =	vsel vm7, $0x2, v0;
	vm13 =	veq.s32 v14, v3;
	v9 =	vor.u32 v30, v9  }
0x85: {  	vm10 =	veq.s32 v28, v1;
	vm11 =	veq.s32 v28, v2;
	v25 =	vsel vm8, $0x1, v0  }
0x86: {  	v26 =	vsel vm9, $0x2, v0;
	vm9 =	veq.s32 v7, v3;
	v23 =	vor.u32 v23, v24  }
0x87: {  	vm14 =	veq.s32 v28, v3;
	v45 =	vsel vm13, $0x4, v0;
	vm13 =	veq.s32 v14, v4  }
0x88: {  	vm1 =	veq.s32 v6, v1;
	vm12 =	veq.s32 v6, v2;
	v36 =	vsel vm10, $0x1, v0  }
0x89: {  	v37 =	vsel vm11, $0x2, v0;
	vm10 =	veq.s32 v17, v3;
	vm11 =	veq.s32 v61, v3  }
0x8a: {  	v25 =	vor.u32 v25, v26;
	vm15 =	veq.s32 v6, v3;
	v41 =	vsel vm9, $0x4, v0  }
0x8b: {  	v46 =	vsel vm14, $0x4, v0;
	vm9 =	veq.s32 v7, v4;
	vm14 =	veq.s32 v28, v4  }
0x8c: {  	v51 =	vsel vm13, $0x8, v0;
	vm13 =	veq.s32 v14, v5;
	v38 =	vsel vm1, $0x1, v0  }
0x8d: {  	v39 =	vsel vm12, $0x2, v0;
	vm12 =	veq.s32 v63, v3;
	v18 =	vor.u32 v36, v37  }
0x8e: {  	v42 =	vsel vm10, $0x4, v0;
	v43 =	vsel vm11, $0x4, v0;
	v12 =	vor.u32 v41, v12  }
0x8f: {  	vm10 =	veq.s32 v17, v4;
	v47 =	vsel vm15, $0x4, v0;
	vm11 =	veq.s32 v61, v4  }
0x90: {  	v24 =	vor.u32 v45, v25;
	vm15 =	veq.s32 v6, v4;
	v48 =	vsel vm9, $0x8, v0  }
0x91: {  	vm9 =	veq.s32 v7, v5;
	v52 =	vsel vm14, $0x8, v0;
	vm14 =	veq.s32 v28, v5  }
0x92: {  	v40 =	vor.u32 v38, v39;
	v44 =	vsel vm12, $0x4, v0;
	v19 =	vor.u32 v42, v19  }
0x93: {  	v21 =	vor.u32 v43, v21;
	vm12 =	veq.s32 v63, v4;
	v18 =	vor.u32 v46, v18  }
0x94: {  	v49 =	vsel vm10, $0x8, v0;
	v50 =	vsel vm11, $0x8, v0;
	vm10 =	veq.s32 v17, v5  }
0x95: {  	[tilespmem:s16+$0x3F40] =	vst v13;
	vm11 =	veq.s32 v61, v5;
	v53 =	vsel vm15, $0x8, v0;
	v54 =	vor.u32 v48, v12  }
0x96: {  	[tilespmem:s16+$0x3F50] =	vst v11;
	vm15 =	veq.s32 v6, v5;
	v6 =	vsel vm9, $0x10, v0;
	v60 =	vor.u32 v51, v24  }
0x97: {  	[tilespmem:s16+$0x3F60] =	vst v8;
	v22 =	vor.u32 v44, v23;
	v7 =	vsel vm12, $0x8, v0;
	vm12 =	veq.s32 v63, v5  }
0x98: {  	[tilespmem:s17+$0x3F70] =	vst v9;
	v55 =	vor.u32 v49, v19;
	v56 =	vsel vm10, $0x10, v0;
	v6 =	vor.u32 v6, v54  }
0x99: {  	v57 =	vor.u32 v50, v21;
	v58 =	vsel vm11, $0x10, v0;
	v8 =	vor.u32 v56, v55;
	[tilespmem:s17+$0x3F00] =	vst v6  }
0x9a: {  	v6 =	vor.u32 v7, v22;
	v7 =	vsel vm12, $0x10, v0;
	v59 =	vor.u32 v58, v57;
	[tilespmem:s17+$0x3F10] =	vst v8  }
0x9b: {  	v61 =	vsel vm13, $0x10, v0;
	v62 =	vsel vm14, $0x10, v0;
	v6 =	vor.u32 v7, v6;
	[tilespmem:s17+$0x3F20] =	vst v59  }
0x9c: {  	v20 =	vor.u32 v47, v40;
	v7 =	vor.u32 v52, v18;
	v8 =	vor.u32 v61, v60;
	[tilespmem:s17+$0x3F30] =	vst v6  }
0x9d: {  	v63 =	vsel vm15, $0x10, v0;
	v6 =	vor.u32 v53, v20;
	v7 =	vor.u32 v62, v7;
	[tilespmem:s17+$0x3F40] =	vst v8  }
0x9e: {  	v6 =	vor.u32 v63, v6;
	[tilespmem:s17+$0x3F50] =	vst v7  }
.Ltmp6:
0x9f: {  	s15 =	sadd.s32 s6, s15;
	[tilespmem:s17+$0x3F60] =	vst v6;
	(pc) =	sbr.rel .LBB2_6-.Ltmp6, $4  }
0xa0: {  	[hbm4b:s15+s3] =	stream.linear.scatter [tilespmem:s12], [sflag:$0x1], $0x3E80, $0x38;
	[tilespmem:$0x7D80] =	vst v63  }
0xa1: {  	_ =	swait.ge [sflag:s9], $0x3E80  }
0xa2: {  	[sflag:s9] =	ssyncset.done $0x0  }
0xa3: {  	[sflag:s9] =	ssyncadd.s32 $0xFFFFC180  }
.LBB2_8:
0xa4: {  	_ =	sfence.sel $0x180000  }
0xa5: {  	[bflag:$0x0] =	sbarrier.arrive $0xFFFF  }
0xa6: {  	p0 =	sne.s32 s4, $0x0;
	_ =	strace $0x90000047  }
0xa7: {  	s0 =	sadd.s32 @!p0 $0x100000, s0;
	[bflag:$0x2] =	sbarrier.arrive $0xFFFF  }
0xa8: {  	[sflag:s0] =	ssyncadd.tile.s32 @!p0 $0x1;
	_ =	shalt  }
.Lfunc_end2:
_tile_overlayer_lowered:
.L_overlay_start_2:
0xa9: {  	(tag) =	ssettag $0x2  }
0xaa: {  	s0 =	rddreg [dreg:$0x0];
	s2 =	stileid.u32  }
0xab: {  	s1 =	rddreg [dreg:$0x1];
	p0 =	sne.s32 s2, $0x0  }
0xac: {  	s3 =	rddreg [dreg:$0x2];
	[bflag:$0x3] =	sbarrier.arrive $0xFFFF;
	s2 =	simm.s32 @!p0 $0x1C01  }
0xad: {  	[timem:s3], [sflag:s2] =	dma.local @!p0 [hbm:s0], s1  }
0xae: {  	s0 =	simm.s32 @!p0 $0x1  }
0xaf: {  	_ =	swait.ge @!p0 [sflag:s0], s1  }
0xb0: {  	s1 =	ssub.s32 @!p0 $0x0, s1;
	[sflag:s0] =	ssyncset.done @!p0 $0x0  }
0xb1: {  	[sflag:s0] =	ssyncadd.s32 @!p0 s1  }
0xb2: {  	[bflag:$0x3] =	sbarrier.arrive $0xFFFF  }
0xb3: {  	_ =	shalt  }

</sc_bundles>
